<compile_context>
chip_gen: v7x
topology: tpu7x:2x2x1
jax: 0.10.2.dev20260603
libtpu: 0.0.44.dev20260713+nightly
codegen_flags: <defaults>
</compile_context>

<pallas_src>
import functools

import jax
import jax.numpy as jnp
from jax import lax
from jax.experimental import pallas as pl
from jax.experimental.pallas import tpu as pltpu
from jax.experimental.pallas import tpu_sc as plsc

D = 768
TYPE_VOCAB = 2

_NC, _NS = 2, 16
_NW = _NC * _NS
_CHUNK = 128


def _sc_gather(table, flat_ids):
    n = flat_ids.shape[0]
    b_per_w = n // _NW
    n_chunks = b_per_w // _CHUNK
    mesh = plsc.VectorSubcoreMesh(core_axis_name="c", subcore_axis_name="s")

    @functools.partial(
        pl.kernel,
        mesh=mesh,
        out_type=jax.ShapeDtypeStruct((n, D), jnp.float32),
        scratch_types=[
            pltpu.VMEM((_CHUNK,), jnp.int32),
            pltpu.VMEM((_CHUNK, D), jnp.float32),
            pltpu.SemaphoreType.DMA,
        ],
    )
    def k(table_hbm, idx_hbm, out_hbm, idx_v, rows_v, sem):
        wid = lax.axis_index("s") * _NC + lax.axis_index("c")
        base = wid * b_per_w

        @pl.loop(0, n_chunks)
        def _(c):
            off = base + c * _CHUNK
            pltpu.sync_copy(idx_hbm.at[pl.ds(off, _CHUNK)], idx_v)
            pltpu.async_copy(table_hbm.at[idx_v], rows_v, sem).wait()
            pltpu.sync_copy(rows_v, out_hbm.at[pl.ds(off, _CHUNK)])

    return k(table, flat_ids)


_BB = 8


def _tc_body(g_ref, tt_ref, pos_ref, comb_ref, w_ref, b_ref, o_ref):
    x = g_ref[...]
    tt = tt_ref[...]
    oh = (tt[..., None] == lax.broadcasted_iota(
        jnp.int32, tt.shape + (16,), 2)).astype(jnp.float32)
    te = lax.dot_general(
        oh.reshape(-1, 16), comb_ref[...],
        (((1,), (0,)), ((), ())),
        precision=lax.Precision.HIGHEST,
        preferred_element_type=jnp.float32,
    )
    x = x + pos_ref[...][None] + te.reshape(x.shape)
    u = jnp.mean(x, axis=-1, keepdims=True)
    s = jnp.mean((x - u) ** 2, axis=-1, keepdims=True)
    y = (x - u) / jnp.sqrt(s + 1e-12)
    o_ref[...] = w_ref[...] * y + b_ref[...]


def kernel(input_ids, token_type_ids, word_emb, pos_emb, type_emb,
           type_ext_emb, ln_w, ln_b):
    B, S = input_ids.shape
    ids = input_ids.astype(jnp.int32).reshape(-1)
    gathered = _sc_gather(word_emb, ids).reshape(B, S, D)

    tt = token_type_ids.astype(jnp.int32)
    pos_s = pos_emb[:S]
    comb = jnp.concatenate(
        [type_emb, type_ext_emb,
         jnp.zeros((16 - TYPE_VOCAB - type_ext_emb.shape[0], D), jnp.float32)],
        axis=0)

    return pl.pallas_call(
        _tc_body,
        grid=(B // _BB,),
        in_specs=[
            pl.BlockSpec((_BB, S, D), lambda i: (i, 0, 0)),
            pl.BlockSpec((_BB, S), lambda i: (i, 0)),
            pl.BlockSpec((S, D), lambda i: (0, 0)),
            pl.BlockSpec((16, D), lambda i: (0, 0)),
            pl.BlockSpec((1, D), lambda i: (0, 0)),
            pl.BlockSpec((1, D), lambda i: (0, 0)),
        ],
        out_specs=pl.BlockSpec((_BB, S, D), lambda i: (i, 0, 0)),
        out_shape=jax.ShapeDtypeStruct((B, S, D), jnp.float32),
    )(gathered, tt, pos_s, comb, ln_w.reshape(1, D), ln_b.reshape(1, D))

# --- scband reference (transcript-rebuilt; emitter-appended) ---
"""Pipeline reference for scband-vis-dia-bert-embeddings-dialog-9440338116909 (READ-ONLY COPY).

The authoritative reference and input builder live on the scoring server;
editing this copy changes nothing except your own understanding.
"""

import jax, jax.numpy as jnp
import numpy as np

VOCAB = 30522
HIDDEN = 768
MAX_POS = 512
TYPE_VOCAB = 2
TYPE_EXT = 10
B, S = 1024, 200


def setup_inputs(seed: int = 0) -> dict:
    key = jax.random.key(seed)
    k1, k2, k3, k4, k5, k6 = jax.random.split(key, 6)
    input_ids = jax.random.randint(k1, (B, S), 0, VOCAB, dtype=jnp.int64 if jax.config.jax_enable_x64 else jnp.int32)
    token_type_ids = jax.random.randint(k2, (B, S), 0, TYPE_VOCAB + TYPE_EXT, dtype=input_ids.dtype)
    word_emb = jax.random.normal(k3, (VOCAB, HIDDEN), dtype=jnp.float32) * 0.02
    pos_emb = jax.random.normal(k4, (MAX_POS, HIDDEN), dtype=jnp.float32) * 0.02
    type_emb = jax.random.normal(k5, (TYPE_VOCAB, HIDDEN), dtype=jnp.float32) * 0.02
    type_ext_emb = jax.random.normal(k6, (TYPE_EXT, HIDDEN), dtype=jnp.float32) * 0.02
    ln_w = jnp.ones((HIDDEN,), dtype=jnp.float32)
    ln_b = jnp.zeros((HIDDEN,), dtype=jnp.float32)
    return {"input_ids": input_ids, "token_type_ids": token_type_ids,
            "word_emb": word_emb, "pos_emb": pos_emb, "type_emb": type_emb,
            "type_ext_emb": type_ext_emb, "ln_w": ln_w, "ln_b": ln_b}


def reference(input_ids, token_type_ids, word_emb, pos_emb, type_emb, type_ext_emb, ln_w, ln_b):
    seq_length = input_ids.shape[1]
    position_ids = jnp.arange(seq_length, dtype=input_ids.dtype)
    position_ids = jnp.broadcast_to(position_ids[None, :], input_ids.shape)

    words_embeddings = jnp.take(word_emb, input_ids, axis=0)
    position_embeddings = jnp.take(pos_emb, position_ids, axis=0)

    tt_ext = token_type_ids - TYPE_VOCAB
    tt_ext_mask = (tt_ext >= 0).astype(jnp.float32)
    tt_ext_ids = (tt_ext.astype(jnp.float32) * tt_ext_mask).astype(token_type_ids.dtype)
    tt_mask = (token_type_ids < TYPE_VOCAB).astype(jnp.float32)
    tt_ids = (token_type_ids.astype(jnp.float32) * tt_mask).astype(token_type_ids.dtype)

    token_type_embeddings = jnp.take(type_emb, tt_ids, axis=0)
    token_type_embeddings_ext = jnp.take(type_ext_emb, tt_ext_ids, axis=0)
    token_type_embeddings = (token_type_embeddings * tt_mask[..., None]
                             + token_type_embeddings_ext * tt_ext_mask[..., None])

    embeddings = words_embeddings + position_embeddings + token_type_embeddings

    u = jnp.mean(embeddings, axis=-1, keepdims=True)
    s = jnp.mean((embeddings - u) ** 2, axis=-1, keepdims=True)
    x = (embeddings - u) / jnp.sqrt(s + 1e-12)
    out = ln_w * x + ln_b
    # dropout is identity in eval mode
    return out

if __name__ == "__main__":
    import jax
    _d = setup_inputs()
    print(jax.jit(kernel)(*tuple(_d.values())))

</pallas_src>

<mosaic_0001>
#map = affine_map<(d0, d1) -> (0, 0)>
#map1 = affine_map<(d0, d1) -> (0)>
module attributes {stable_mosaic.version = 14 : i64} {
  func.func @k(%arg0: i32, %arg1: i32, %arg2: memref<30522x768xf32, #tpu.memory_space<hbm>>, %arg3: memref<204800xi32, #tpu.memory_space<hbm>>, %arg4: memref<204800x768xf32, #tpu.memory_space<hbm>>, %arg5: memref<128xi32, #tpu.memory_space<vmem>>, %arg6: memref<128x768xf32, #tpu.memory_space<vmem>>, %arg7: memref<!tpu.dma_semaphore, #tpu.memory_space<semaphore_mem>>) attributes {dimension_semantics = [#tpu.dimension_semantics<core_parallel>, #tpu.dimension_semantics<subcore_parallel>], iteration_bounds = array<i64: 2, 16>, scalar_prefetch = 0 : i64, scratch_operands = 3 : i64, tpu.core_type = #tpu.core_type<sc_vector_subcore>, window_params = [{transform_indices = #map}, {transform_indices = #map1}, {transform_indices = #map}]} {
    %mul3A = arith.constant 2 : i32
    %mul3A_0 = arith.muli %arg1, %mul3A : i32
    %add3A = arith.addi %mul3A_0, %arg0 : i32
    %mul3A_1 = arith.constant 6400 : i32
    %mul3A_2 = arith.muli %add3A, %mul3A_1 : i32
    %scan3A = arith.constant 0 : i32
    %scan3A_3 = arith.constant 50 : i32
    %scan3A_4 = arith.addi %scan3A, %scan3A_3 : i32
    %scan3A_5 = arith.constant 1 : i32
    scf.for %scan3A_7 = %scan3A to %scan3A_4 step %scan3A_5  : i32 {
      %mul3A_8 = arith.constant 1 : i32
      %mul3A_9 = arith.muli %scan3A_7, %mul3A_8 : i32
      %add3A_10 = arith.constant 0 : i32
      %add3A_11 = arith.addi %add3A_10, %mul3A_9 : i32
      %mul3A_12 = arith.constant 128 : i32
      %mul3A_13 = arith.muli %add3A_11, %mul3A_12 : i32
      %add3A_14 = arith.addi %mul3A_2, %mul3A_13 : i32
      "tpu.region"() ({
        %run_scoped3A = tpu.sem_alloc : memref<!tpu.dma_semaphore, #tpu.memory_space<semaphore_mem>>
        %dma_start3A_19 = tpu.memref_slice %arg3[%add3A_14] : memref<204800xi32, #tpu.memory_space<hbm>> -> memref<128xi32, #tpu.memory_space<hbm>>
        %dma_start3A_20 = tpu.memref_slice %arg3[%add3A_14] : memref<204800xi32, #tpu.memory_space<hbm>> -> memref<128xi32, #tpu.memory_space<hbm>>
        tpu.enqueue_dma source(%dma_start3A_20 : memref<128xi32, #tpu.memory_space<hbm>>) target(%arg5 : memref<128xi32, #tpu.memory_space<vmem>>) target_semaphore(%run_scoped3A : memref<!tpu.dma_semaphore, #tpu.memory_space<semaphore_mem>>)
        %dma_wait3A_21 = tpu.memref_slice %arg3[%add3A_14] : memref<204800xi32, #tpu.memory_space<hbm>> -> memref<128xi32, #tpu.memory_space<hbm>>
        %dma_wait3A_22 = tpu.memref_slice %arg3[%add3A_14] : memref<204800xi32, #tpu.memory_space<hbm>> -> memref<128xi32, #tpu.memory_space<hbm>>
        tpu.wait_dma2 semaphore(%run_scoped3A : memref<!tpu.dma_semaphore, #tpu.memory_space<semaphore_mem>>) src(%dma_wait3A_22 : memref<128xi32, #tpu.memory_space<hbm>>) dst(%arg5 : memref<128xi32, #tpu.memory_space<vmem>>)
        tpu.yield
      }) : () -> ()
      %dma_start3A = arith.constant 0 : i32
      %dma_start3A_15 = arith.constant 0 : i32
      %dma_start3A_16 = tpu.memref_slice %arg2[%dma_start3A, %dma_start3A_15] : memref<30522x768xf32, #tpu.memory_space<hbm>> -> memref<30522x768xf32, #tpu.memory_space<hbm>>
      tpu.enqueue_indirect_dma source(%dma_start3A_16 : memref<30522x768xf32, #tpu.memory_space<hbm>>) target(%arg6 : memref<128x768xf32, #tpu.memory_space<vmem>>) offsets(%arg5 : memref<128xi32, #tpu.memory_space<vmem>>) semaphore(%arg7 : memref<!tpu.dma_semaphore, #tpu.memory_space<semaphore_mem>>)
      %dma_wait3A = arith.constant 0 : i32
      %dma_wait3A_17 = arith.constant 0 : i32
      %dma_wait3A_18 = tpu.memref_slice %arg2[%dma_wait3A, %dma_wait3A_17] : memref<30522x768xf32, #tpu.memory_space<hbm>> -> memref<30522x768xf32, #tpu.memory_space<hbm>>
      tpu.wait_indirect_dma semaphore(%arg7 : memref<!tpu.dma_semaphore, #tpu.memory_space<semaphore_mem>>) src(%dma_wait3A_18 : memref<30522x768xf32, #tpu.memory_space<hbm>>) dst(%arg6 : memref<128x768xf32, #tpu.memory_space<vmem>>)
      "tpu.region"() ({
        %run_scoped3A = tpu.sem_alloc : memref<!tpu.dma_semaphore, #tpu.memory_space<semaphore_mem>>
        %dma_start3A_19 = arith.constant 0 : i32
        %dma_start3A_20 = tpu.memref_slice %arg4[%add3A_14, %dma_start3A_19] : memref<204800x768xf32, #tpu.memory_space<hbm>> -> memref<128x768xf32, #tpu.memory_space<hbm>>
        %dma_start3A_21 = arith.constant 0 : i32
        %dma_start3A_22 = tpu.memref_slice %arg4[%add3A_14, %dma_start3A_21] : memref<204800x768xf32, #tpu.memory_space<hbm>> -> memref<128x768xf32, #tpu.memory_space<hbm>>
        tpu.enqueue_dma source(%arg6 : memref<128x768xf32, #tpu.memory_space<vmem>>) target(%dma_start3A_22 : memref<128x768xf32, #tpu.memory_space<hbm>>) target_semaphore(%run_scoped3A : memref<!tpu.dma_semaphore, #tpu.memory_space<semaphore_mem>>)
        %dma_wait3A_23 = arith.constant 0 : i32
        %dma_wait3A_24 = tpu.memref_slice %arg4[%add3A_14, %dma_wait3A_23] : memref<204800x768xf32, #tpu.memory_space<hbm>> -> memref<128x768xf32, #tpu.memory_space<hbm>>
        %dma_wait3A_25 = arith.constant 0 : i32
        %dma_wait3A_26 = tpu.memref_slice %arg4[%add3A_14, %dma_wait3A_25] : memref<204800x768xf32, #tpu.memory_space<hbm>> -> memref<128x768xf32, #tpu.memory_space<hbm>>
        tpu.wait_dma2 semaphore(%run_scoped3A : memref<!tpu.dma_semaphore, #tpu.memory_space<semaphore_mem>>) src(%arg6 : memref<128x768xf32, #tpu.memory_space<vmem>>) dst(%dma_wait3A_26 : memref<128x768xf32, #tpu.memory_space<hbm>>)
        tpu.yield
      }) : () -> ()
    }
    %scan3A_6 = arith.constant 50 : i32
    return
  }
}

module attributes {stable_mosaic.version = 14 : i64} {
  func.func @_tc_body(%arg0: i32, %arg1: memref<8x200x768xf32, #tpu.memory_space<vmem>>, %arg2: memref<8x200xi32, #tpu.memory_space<vmem>>, %arg3: memref<200x768xf32, #tpu.memory_space<vmem>>, %arg4: memref<16x768xf32, #tpu.memory_space<vmem>>, %arg5: memref<1x768xf32, #tpu.memory_space<vmem>>, %arg6: memref<1x768xf32, #tpu.memory_space<vmem>>, %arg7: memref<8x200x768xf32, #tpu.memory_space<vmem>>) attributes {dimension_semantics = [#tpu.dimension_semantics<arbitrary>], iteration_bounds = array<i64: 128>, scalar_prefetch = 0 : i64, scratch_operands = 0 : i64, tpu.core_type = #tpu.core_type<tc>, window_params = [{transform_indices = @transform_0, window_bounds = array<i64: 8, 200, 768>}, {transform_indices = @transform_1, window_bounds = array<i64: 8, 200>}, {pipeline_mode = #tpu.pipeline_mode<synchronous>, transform_indices = @transform_2, window_bounds = array<i64: 200, 768>}, {pipeline_mode = #tpu.pipeline_mode<synchronous>, transform_indices = @transform_3, window_bounds = array<i64: 16, 768>}, {pipeline_mode = #tpu.pipeline_mode<synchronous>, transform_indices = @transform_4, window_bounds = array<i64: 1, 768>}, {pipeline_mode = #tpu.pipeline_mode<synchronous>, transform_indices = @transform_5, window_bounds = array<i64: 1, 768>}, {transform_indices = @transform_6, window_bounds = array<i64: 8, 200, 768>}]} {
    %get3A = arith.constant 0 : index
    %get3A_0 = arith.constant 0 : index
    %get3A_1 = arith.constant 0 : index
    %get3A_2 = vector.load %arg1[%get3A, %get3A_0, %get3A_1] : memref<8x200x768xf32, #tpu.memory_space<vmem>>, vector<8x200x768xf32>
    %get3A_3 = arith.constant 0 : index
    %get3A_4 = arith.constant 0 : index
    %get3A_5 = vector.load %arg2[%get3A_3, %get3A_4] : memref<8x200xi32, #tpu.memory_space<vmem>>, vector<8x200xi32>
    %broadcast_in_dim3A = vector.shape_cast %get3A_5 : vector<8x200xi32> to vector<8x200x1xi32>
    %iota3A = tpu.iota {dimensions = array<i32: 2>} : vector<8x200x16xi32>
    %eq3A = vector.broadcast %broadcast_in_dim3A : vector<8x200x1xi32> to vector<8x200x16xi32>
    %eq3A_6 = arith.cmpi eq, %eq3A, %iota3A : vector<8x200x16xi32>
    %convert_element_type3A = arith.extui %eq3A_6 : vector<8x200x16xi1> to vector<8x200x16xi32>
    %convert_element_type3A_7 = arith.sitofp %convert_element_type3A : vector<8x200x16xi32> to vector<8x200x16xf32>
    %reshape3A = vector.shape_cast %convert_element_type3A_7 : vector<8x200x16xf32> to vector<1600x16xf32>
    %get3A_8 = arith.constant 0 : index
    %get3A_9 = arith.constant 0 : index
    %get3A_10 = vector.load %arg4[%get3A_8, %get3A_9] : memref<16x768xf32, #tpu.memory_space<vmem>>, vector<16x768xf32>
    %dot_general3A = arith.constant dense<0.000000e+00> : vector<1600x768xf32>
    %dot_general3A_11 = tpu.matmul %reshape3A, %get3A_10, %dot_general3A {dimension_numbers = #tpu.dot_dimension_numbers<[1], [0], [0], [1], [0, 0, 1, 1], [], []>, precision = #tpu.contract_precision<fp32>, transpose_lhs_hint = false} : vector<1600x16xf32>, vector<16x768xf32>, vector<1600x768xf32> -> vector<1600x768xf32>
    %get3A_12 = arith.constant 0 : index
    %get3A_13 = arith.constant 0 : index
    %get3A_14 = vector.load %arg3[%get3A_12, %get3A_13] : memref<200x768xf32, #tpu.memory_space<vmem>>, vector<200x768xf32>
    %broadcast_in_dim3A_15 = vector.shape_cast %get3A_14 : vector<200x768xf32> to vector<1x200x768xf32>
    %add3A = vector.broadcast %broadcast_in_dim3A_15 : vector<1x200x768xf32> to vector<8x200x768xf32>
    %add3A_16 = arith.addf %get3A_2, %add3A : vector<8x200x768xf32>
    %reshape3A_17 = vector.shape_cast %dot_general3A_11 : vector<1600x768xf32> to vector<8x200x768xf32>
    %add3A_18 = arith.addf %add3A_16, %reshape3A_17 : vector<8x200x768xf32>
    %reduce_sum3A = arith.constant dense<0.000000e+00> : vector<8x200xf32>
    %reduce_sum3A_19 = vector.multi_reduction <add>, %add3A_18, %reduce_sum3A [2] : vector<8x200x768xf32> to vector<8x200xf32>
    %broadcast_in_dim3A_20 = vector.shape_cast %reduce_sum3A_19 : vector<8x200xf32> to vector<8x200x1xf32>
    %div3A = arith.constant 7.680000e+02 : f32
    %div3A_21 = vector.broadcast %div3A : f32 to vector<8x200x1xf32>
    %div3A_22 = arith.divf %broadcast_in_dim3A_20, %div3A_21 : vector<8x200x1xf32>
    %sub3A = vector.broadcast %div3A_22 : vector<8x200x1xf32> to vector<8x200x768xf32>
    %sub3A_23 = arith.subf %add3A_18, %sub3A : vector<8x200x768xf32>
    %integer_pow3A = arith.mulf %sub3A_23, %sub3A_23 : vector<8x200x768xf32>
    %reduce_sum3A_24 = arith.constant dense<0.000000e+00> : vector<8x200xf32>
    %reduce_sum3A_25 = vector.multi_reduction <add>, %integer_pow3A, %reduce_sum3A_24 [2] : vector<8x200x768xf32> to vector<8x200xf32>
    %broadcast_in_dim3A_26 = vector.shape_cast %reduce_sum3A_25 : vector<8x200xf32> to vector<8x200x1xf32>
    %div3A_27 = arith.constant 7.680000e+02 : f32
    %div3A_28 = vector.broadcast %div3A_27 : f32 to vector<8x200x1xf32>
    %div3A_29 = arith.divf %broadcast_in_dim3A_26, %div3A_28 : vector<8x200x1xf32>
    %sub3A_30 = vector.broadcast %div3A_22 : vector<8x200x1xf32> to vector<8x200x768xf32>
    %sub3A_31 = arith.subf %add3A_18, %sub3A_30 : vector<8x200x768xf32>
    %add3A_32 = arith.constant 9.99999996E-13 : f32
    %add3A_33 = vector.broadcast %add3A_32 : f32 to vector<8x200x1xf32>
    %add3A_34 = arith.addf %div3A_29, %add3A_33 : vector<8x200x1xf32>
    %sqrt3A = math.sqrt %add3A_34 : vector<8x200x1xf32>
    %div3A_35 = vector.broadcast %sqrt3A : vector<8x200x1xf32> to vector<8x200x768xf32>
    %div3A_36 = arith.divf %sub3A_31, %div3A_35 : vector<8x200x768xf32>
    %get3A_37 = arith.constant 0 : index
    %get3A_38 = arith.constant 0 : index
    %get3A_39 = vector.load %arg5[%get3A_37, %get3A_38] : memref<1x768xf32, #tpu.memory_space<vmem>>, vector<1x768xf32>
    %broadcast_in_dim3A_40 = vector.shape_cast %get3A_39 : vector<1x768xf32> to vector<1x1x768xf32>
    %mul3A = vector.broadcast %broadcast_in_dim3A_40 : vector<1x1x768xf32> to vector<8x200x768xf32>
    %mul3A_41 = arith.mulf %mul3A, %div3A_36 : vector<8x200x768xf32>
    %get3A_42 = arith.constant 0 : index
    %get3A_43 = arith.constant 0 : index
    %get3A_44 = vector.load %arg6[%get3A_42, %get3A_43] : memref<1x768xf32, #tpu.memory_space<vmem>>, vector<1x768xf32>
    %broadcast_in_dim3A_45 = vector.shape_cast %get3A_44 : vector<1x768xf32> to vector<1x1x768xf32>
    %add3A_46 = vector.broadcast %broadcast_in_dim3A_45 : vector<1x1x768xf32> to vector<8x200x768xf32>
    %add3A_47 = arith.addf %mul3A_41, %add3A_46 : vector<8x200x768xf32>
    %swap3A = arith.constant 0 : index
    %swap3A_48 = arith.constant 0 : index
    %swap3A_49 = arith.constant 0 : index
    %swap3A_50 = vector.load %arg7[%swap3A, %swap3A_48, %swap3A_49] : memref<8x200x768xf32, #tpu.memory_space<vmem>>, vector<8x200x768xf32>
    tpu.vector_store %arg7[%swap3A, %swap3A_48, %swap3A_49], %add3A_47 {strides = array<i32>} : memref<8x200x768xf32, #tpu.memory_space<vmem>>, vector<8x200x768xf32>,
    return
  }
  func.func @transform_0(%arg0: i32) -> (i32, i32, i32) {
    %c0_i32 = arith.constant 0 : i32
    %c0_i32_0 = arith.constant 0 : i32
    %c0_i32_1 = arith.constant 0 : i32
    return %arg0, %c0_i32, %c0_i32_0 : i32, i32, i32
  }
  func.func @transform_1(%arg0: i32) -> (i32, i32) {
    %c0_i32 = arith.constant 0 : i32
    %c0_i32_0 = arith.constant 0 : i32
    return %arg0, %c0_i32 : i32, i32
  }
  func.func @transform_2(%arg0: i32) -> (i32, i32) {
    %c0_i32 = arith.constant 0 : i32
    %c0_i32_0 = arith.constant 0 : i32
    %c0_i32_1 = arith.constant 0 : i32
    return %c0_i32, %c0_i32_0 : i32, i32
  }
  func.func @transform_3(%arg0: i32) -> (i32, i32) {
    %c0_i32 = arith.constant 0 : i32
    %c0_i32_0 = arith.constant 0 : i32
    %c0_i32_1 = arith.constant 0 : i32
    return %c0_i32, %c0_i32_0 : i32, i32
  }
  func.func @transform_4(%arg0: i32) -> (i32, i32) {
    %c0_i32 = arith.constant 0 : i32
    %c0_i32_0 = arith.constant 0 : i32
    %c0_i32_1 = arith.constant 0 : i32
    return %c0_i32, %c0_i32_0 : i32, i32
  }
  func.func @transform_5(%arg0: i32) -> (i32, i32) {
    %c0_i32 = arith.constant 0 : i32
    %c0_i32_0 = arith.constant 0 : i32
    %c0_i32_1 = arith.constant 0 : i32
    return %c0_i32, %c0_i32_0 : i32, i32
  }
  func.func @transform_6(%arg0: i32) -> (i32, i32, i32) {
    %c0_i32 = arith.constant 0 : i32
    %c0_i32_0 = arith.constant 0 : i32
    %c0_i32_1 = arith.constant 0 : i32
    return %arg0, %c0_i32, %c0_i32_0 : i32, i32, i32
  }
}

</mosaic_0001>

<sc_bundles>
// kernel: kernel.4.cloned.1.call-start
scs
__scs_entry_jumppad:
0x0: {  	(pc) =	sbr.rel $0x88, $3  }
0x1: {  	(tag) =	ssettag $0x0;
	lr =	simm.s32 $0x1  }
0x2: {  	[smem:$0x3F99] =	sst lr;
	_ =	strace $0xD0000000  }
0x3: {  	_ = 	snop  }
0x4: {  	_ = 	snop  }
0x5: {  	_ = 	snop  }
0x6: {  	_ = 	snop  }
0x7: {  	_ = 	snop  }
__scs_overlays_trampoline_lowered:
0x8: {  	[smem:$0x3FA8] =	sst s0  }
0x9: {  	[smem:$0x3FA9] =	sst s1  }
0xa: {  	[smem:$0x3FAA] =	sst s2  }
0xb: {  	[smem:$0x3FAB] =	sst s3  }
0xc: {  	[smem:$0x3FAC] =	sst s4  }
0xd: {  	[smem:$0x3FAD] =	sst s5  }
0xe: {  	[smem:$0x3FAE] =	sst s6  }
0xf: {  	[smem:$0x3FAF] =	sst s7  }
0x10: {  	[smem:$0x3FB0] =	sst s8  }
0x11: {  	[smem:$0x3FB1] =	sst s9;
	s0 =	simm.s32 @!p0 $0x0  }
0x12: {  	s1 =	sld [smem:$0x3F97];
	s0 =	simm.s32 @p0 $0x1  }
0x13: {  	[smem:$0x3FB2] =	sst s0;
	s0 =	simm.s32 @!p1 $0x0  }
0x14: {  	s2 =	sld [smem:$0x3F96];
	s0 =	simm.s32 @p1 $0x1  }
0x15: {  	[smem:$0x3FB3] =	sst s0;
	s0 =	simm.s32 @!p2 $0x0  }
0x16: {  	s3 =	sld [smem:$0x3FDB];
	s0 =	simm.s32 @p2 $0x1  }
0x17: {  	s4 =	simm.s32 $0x1BF5;
	[smem:$0x3FB5] =	sst s0  }
0x18: {  	s0 =	sld [smem:$0x3F98];
	_ =	swait.ge [sflag:s4], $0x0  }
0x19: {  	s7 =	sld [smem:$0x3F99]  }
0x1a: {  	s8 =	sadd.s32 $0xFFFFE003, lr  }
0x1b: {  	s9 =	sadd.s32 $0xFFFFFEF7, lr;
	s5 =	simm.s32 $0xFFFFFFFF;
	p2 =	slt.u32 s8, $0xFFFFF086  }
0x1c: {  	p1 =	slt.u32 s9, $0xF7A;
	s5 =	simm.s32 @!p2 $0x0  }
0x1d: {  	s5 =	simm.s32 @p1 $0x1;
	p0 =	seq.s32 s7, s2  }
0x1e: {  	s7 =	smul.u32 @!p0 $0xF7A, s2;
	p2 =	seq.s32 @!p0 s5, $0x0  }
0x1f: {  	s9 =	smul.u32 $0xF7A, s1;
	s8 =	simm.s32 @!p0 $0x1BF5;
	p2 =	por !p2, p0  }
0x20: {  	[sflag:s8] =	ssyncset.s32 @!p0 $0xFFFFF086;
	s6 =	sadd.s32 @!p0 s3, s7;
	s7 =	simm.s32 @!p0 $0x108  }
0x21: {  	s3 =	sadd.s32 s3, s9;
	s6 =	sadd.s32 @!p0 $0x88, s6;
	s7 =	simm.s32 @p2 $0x1082  }
0x22: {  	[simem:s7], [sflag:s8] =	dma.local @!p0 [hbm:s6], $0xF7A  }
0x23: {  	s9 =	sor.u32 $0xD0000000, s2;
	s6 =	simm.s32 $0x108;
	_ =	swait.ge @!p0 [sflag:s8], $0x0  }
0x24: {  	s3 =	sadd.s32 $0x88, s3;
	s6 =	simm.s32 @!p1 $0x1082;
	[sflag:s4] =	ssyncset.s32 $0xFFFFF086  }
0x25: {  	[simem:s6], [sflag:s4] =	dma.local [hbm:s3], $0xF7A  }
0x26: {  	[smem:$0x3F99] =	sst s1;
	(tag) =	ssettag s2;
	_ =	strace s9  }
0x27: {  	s1 =	sld [smem:$0x3FA9]  }
0x28: {  	s2 =	sld [smem:$0x3FAA]  }
0x29: {  	s4 =	sld [smem:$0x3FAC]  }
0x2a: {  	p0 =	seq.s32 s5, $0x0;
	s5 =	sld [smem:$0x3FAD]  }
0x2b: {  	s6 =	sld [smem:$0x3FAE]  }
0x2c: {  	s7 =	sld [smem:$0x3FAF]  }
0x2d: {  	s3 =	simm.s32 $0x108;
	s8 =	sld [smem:$0x3FB0]  }
0x2e: {  	s3 =	simm.s32 @!p0 $0x1082;
	s9 =	sld [smem:$0x3FB1]  }
0x2f: {  	lr =	sadd.s32 s0, s3;
	s0 =	sld [smem:$0x3FA8]  }
0x30: {  	s3 =	sld [smem:$0x3FAB]  }
0x31: {  	[smem:$0x3FB4] =	sst s10  }
0x32: {  	s10 =	sld [smem:$0x3FB2];
	_ =	sdelay $0x3  }
0x33: {  	p0 =	seq.s32 s10, $0x1;
	s10 =	sld [smem:$0x3FB4];
	_ =	sdelay $0x3  }
0x34: {  	[smem:$0x3FB4] =	sst s10  }
0x35: {  	s10 =	sld [smem:$0x3FB3];
	_ =	sdelay $0x3  }
0x36: {  	p1 =	seq.s32 s10, $0x1;
	s10 =	sld [smem:$0x3FB4];
	_ =	sdelay $0x3  }
0x37: {  	[smem:$0x3FB4] =	sst s10  }
0x38: {  	s10 =	sld [smem:$0x3FB5]  }
0x39: {  	_ = 	snop;
	(pc) =	sbr.ind lr, $3  }
0x3a: {  	_ = 	snop  }
0x3b: {  	_ = 	snop  }
0x3c: {  	p2 =	seq.s32 s10, $0x1;
	s10 =	sld [smem:$0x3FB4]  }
0x3d: {  	_ =	shalt  }
0x3e: {  	_ =	shalt  }
0x3f: {  	_ =	shalt  }
0x40: {  	_ =	shalt  }
0x41: {  	_ =	shalt  }
0x42: {  	_ =	shalt  }
0x43: {  	_ =	shalt  }
0x44: {  	_ =	shalt  }
0x45: {  	_ =	shalt  }
0x46: {  	_ =	shalt  }
0x47: {  	_ =	shalt  }
0x48: {  	_ =	shalt  }
0x49: {  	_ =	shalt  }
0x4a: {  	_ =	shalt  }
0x4b: {  	_ =	shalt  }
0x4c: {  	_ =	shalt  }
0x4d: {  	_ =	shalt  }
0x4e: {  	_ =	shalt  }
0x4f: {  	_ =	shalt  }
0x50: {  	_ =	shalt  }
0x51: {  	_ =	shalt  }
0x52: {  	_ =	shalt  }
0x53: {  	_ =	shalt  }
0x54: {  	_ =	shalt  }
0x55: {  	_ =	shalt  }
0x56: {  	_ =	shalt  }
0x57: {  	_ =	shalt  }
0x58: {  	_ =	shalt  }
0x59: {  	_ =	shalt  }
0x5a: {  	_ =	shalt  }
0x5b: {  	_ =	shalt  }
0x5c: {  	_ =	shalt  }
0x5d: {  	_ =	shalt  }
0x5e: {  	_ =	shalt  }
0x5f: {  	_ =	shalt  }
0x60: {  	_ =	shalt  }
0x61: {  	_ =	shalt  }
0x62: {  	_ =	shalt  }
0x63: {  	_ =	shalt  }
0x64: {  	_ =	shalt  }
0x65: {  	_ =	shalt  }
0x66: {  	_ =	shalt  }
0x67: {  	_ =	shalt  }
0x68: {  	_ =	shalt  }
0x69: {  	_ =	shalt  }
0x6a: {  	_ =	shalt  }
0x6b: {  	_ =	shalt  }
0x6c: {  	_ =	shalt  }
0x6d: {  	_ =	shalt  }
0x6e: {  	_ =	shalt  }
0x6f: {  	_ =	shalt  }
0x70: {  	_ =	shalt  }
0x71: {  	_ =	shalt  }
0x72: {  	_ =	shalt  }
0x73: {  	_ =	shalt  }
0x74: {  	_ =	shalt  }
0x75: {  	_ =	shalt  }
0x76: {  	_ =	shalt  }
0x77: {  	_ =	shalt  }
0x78: {  	_ =	shalt  }
0x79: {  	_ =	shalt  }
0x7a: {  	_ =	shalt  }
0x7b: {  	_ =	shalt  }
0x7c: {  	_ =	shalt  }
0x7d: {  	_ =	shalt  }
0x7e: {  	_ =	shalt  }
0x7f: {  	_ =	shalt  }
0x80: {  	_ =	shalt  }
0x81: {  	_ =	shalt  }
0x82: {  	_ =	shalt  }
0x83: {  	_ =	shalt  }
0x84: {  	_ =	shalt  }
0x85: {  	_ =	shalt  }
0x86: {  	_ =	shalt  }
0x87: {  	_ =	shalt  }
.Lfunc_end0:
.L_simem_size_0:
called_computation_lowered:
.L_overlay_start_0:
0x88: {  	s2 =	sld [smem:$0x3FD9]  }
0x89: {  	s3 =	sld [smem:$0x3FFE];
	_ =	sdelay $0x1  }
0x8a: {  	s1 =	srdreg.scid  }
0x8b: {  	s0 =	sand.u32 $0x1, s1  }
0x8c: {  	s17 =	sshll.u32 s0, $0xA;
	s2 =	sadd.s32 s3, s2  }
0x8d: {  	s2 =	sadd.s32 s2, s17  }
0x8e: {  	[smem:$0x3FC0] =	sst s2  }
0x8f: {  	_ = 	snop  }
0x90: {  	s2 =	sld [smem:$0x3FC7]  }
0x91: {  	s18 =	sld [smem:$0x3FD0];
	(tm) =	ssettm $0x1  }
0x92: {  	s4 =	sld [smem:$0x3FFB];
	_ =	sdelay $0x3  }
0x93: {  	_ =	strace s4  }
0x94: {  	s4 =	sld [smem:$0x3FFC];
	_ =	sdelay $0x3  }
0x95: {  	_ =	strace s4  }
0x96: {  	s4 =	sld [smem:$0x3FFD];
	_ =	sdelay $0x3  }
0x97: {  	_ =	strace s4  }
0x98: {  	_ =	strace $0x8FFFFFFF  }
0x99: {  	s19 =	sld [smem:$0x3FDB];
	_ =	sdelay $0x1  }
0x9a: {  	s5 =	simm.s32 $_scs_section_size  }
0x9b: {  	s6 =	simm.s32 $_size__tile_overlayer_lowered;
	s7 =	simm.s32 $_tile_overlayer_lowered  }
0x9c: {  	s22 =	simm.s32 $0x1BFF;
	s21 =	sshll.u32 s7, $0x1;
	s4 =	sadd.s32 s5, s19  }
0x9d: {  	s8 =	simm.s32 $0x0;
	s20 =	sshll.u32 s6, $0x1;
	s6 =	sadd.s32 s21, s4  }
0x9e: {  	[timem:s8], [sflag:s22] =	dma.local [hbm:s6], s20  }
0x9f: {  	_ =	swait.ge [sflag:s22], s20  }
0xa0: {  	s5 =	ssub.s32 $0x0, s20;
	[sflag:s22] =	ssyncset.done $0x0  }
0xa1: {  	[sflag:s22] =	ssyncadd.s32 s5;
	_ =	sdelay $0x1  }
0xa2: {  	s23 =	simm.s32 $0x1B8B  }
0xa3: {  	_ =	swait.ge [sflag:s23], $0x1  }
0xa4: {  	[sflag:s23] =	ssyncset.done $0x0  }
0xa5: {  	s25 =	simm.s32 $0x1B8E;
	s24 =	sld [smem:$0x3FFE];
	[sflag:s23] =	ssyncadd.s32 $0xFFFFFFFF  }
0xa6: {  	s26 =	simm.s32 $execute0_lowered;
	[smem:$0x3FD2] =	sst s25  }
0xa7: {  	s6 =	sshll.u32 s26, $0x1;
	_ =	strace $0x80000046;
	[dreg:$0x1] =	wrdreg $0xFFFFFFFF  }
0xa8: {  	s28 =	simm.s32 $_size_execute0_lowered;
	s4 =	sadd.s32 s4, s6;
	[dreg:$0x0] =	wrdreg $0x0  }
0xa9: {  	s6 =	sshll.u32 s28, $0x1;
	[dreg:$0x2] =	wrdreg s4  }
0xaa: {  	[dreg:$0x3] =	wrdreg s6  }
0xab: {  	[dreg:$0x4] =	wrdreg $0xC0  }
0xac: {  	_ =	task [dreg:s8], $0x5FFFF  }
0xad: {  	[dreg:$0x1] =	wrdreg $0xFFFFFFFF  }
0xae: {  	[dreg:$0x0] =	wrdreg $0x60  }
0xaf: {  	[dreg:$0x2] =	wrdreg s2  }
0xb0: {  	[dreg:$0x3] =	wrdreg s18  }
0xb1: {  	[dreg:$0x4] =	wrdreg s24  }
0xb2: {  	[dreg:$0x5] =	wrdreg $0x9  }
0xb3: {  	_ =	task.clear_ibuf [dreg:s8], $0x6FFFF;
	_ =	strace $0x90000046  }
0xb4: {  	s29 =	simm.s32 $0x9;
	_ =	strace $0x80000048  }
0xb5: {  	_ =	swait.ge [sflag:s29], $0x1  }
0xb6: {  	[sflag:s29] =	ssyncadd.s32 $0xFFFFFFFF  }
0xb7: {  	_ =	strace $0x90000048  }
0xb8: {  	_ =	sfence  }
0xb9: {  	s30 =	sld [smem:$0x0];
	_ =	sdelay $0x2  }
0xba: {  	s31 =	sshll.u32 s1, $0xD;
	s1 =	sshrl.u32 s1, $0x2  }
0xbb: {  	s3 =	sand.u32 $0x4000, s31;
	s1 =	sadd.s32 s1, s30  }
0xbc: {  	s0 =	sor.u32 s3, s0;
	s1 =	sshll.u32 s1, $0x11  }
0xbd: {  	s0 =	sor.u32 s1, s0  }
0xbe: {  	s0 =	sadd.s32 $0x8F2B, s0  }
0xbf: {  	[sflag:s0] =	ssyncadd.remote.s32 $0x1  }
0xc0: {  	_ =	sfence.sel $0xFFFF  }
0xc1: {  	[dreg:$0x0] =	wrdreg $0xFFFFFFFF;
	(pc) =	sbr.abs _section_cstart, $3  }
0xc2: {  	[dreg:$0x1] =	wrdreg $0xFFFFFFFF  }
0xc3: {  	_ =	task.clear_ibuf [dreg:s8], $0x2FFFF;
	_ =	strace $0x9FFFFFFF  }
0xc4: {  	(tm) =	ssettm $0x7FFFFFFF  }
0xc5: {  	_ =	shalt  }
tec
execute0_lowered:
.L_overlay_start_1:
0x0: {  	(tag) =	ssettag $0x1  }
0x1: {  	s2 =	rddreg [dreg:$0x0]  }
0x2: {  	s4 =	rddreg [dreg:$0x1]  }
0x3: {  	s6 =	rddreg [dreg:$0x2];
	s3 =	simm.s32 $0x0  }
0x4: {  	s19 =	simm.s32 $0x880;
	[smem:$0x7FF] =	sst s3  }
0x5: {  	s20 =	simm.s32 $0x1080;
	_ =	strace $0x80000047;
	[dreg:$0x5] =	wrdreg s19  }
0x6: {  	s21 =	simm.s32 $0x1880;
	[dreg:$0x6] =	wrdreg s20  }
0x7: {  	s22 =	simm.s32 $0x2080;
	[dreg:$0x7] =	wrdreg s21  }
0x8: {  	s23 =	simm.s32 $0x2880;
	[dreg:$0x8] =	wrdreg s22  }
0x9: {  	s24 =	simm.s32 $0x3080;
	[dreg:$0x9] =	wrdreg s23  }
0xa: {  	s25 =	simm.s32 $0x3880;
	[dreg:$0xa] =	wrdreg s24  }
0xb: {  	s26 =	simm.s32 $0x4080;
	[dreg:$0xb] =	wrdreg s25  }
0xc: {  	s7 =	simm.s32 $0x5080;
	[dreg:$0xc] =	wrdreg s26  }
0xd: {  	s8 =	simm.s32 $0x5880;
	[dreg:$0xe] =	wrdreg s7  }
0xe: {  	s9 =	simm.s32 $0x6080;
	[dreg:$0xf] =	wrdreg s8  }
0xf: {  	s0 =	srdreg.scid;
	s10 =	simm.s32 $0x6880;
	[dreg:$0x10] =	wrdreg s9  }
0x10: {  	s1 =	stileid.u32;
	s11 =	simm.s32 $0x7080;
	[dreg:$0x11] =	wrdreg s10  }
0x11: {  	s12 =	simm.s32 $0x7880;
	s13 =	simm.s32 $0x8080;
	[dreg:$0x12] =	wrdreg s11  }
0x12: {  	s14 =	simm.s32 $0x8880;
	s15 =	simm.s32 $0x9080;
	[dreg:$0x13] =	wrdreg s12  }
0x13: {  	s16 =	simm.s32 $0x9880;
	s17 =	simm.s32 $0xA080;
	[dreg:$0x14] =	wrdreg s13  }
0x14: {  	s18 =	simm.s32 $0xA880;
	s28 =	simm.s32 $0x17080;
	[dreg:$0x15] =	wrdreg s14  }
0x15: {  	s29 =	simm.s32 $0x17880;
	s30 =	simm.s32 $0x1;
	[dreg:$0x16] =	wrdreg s15  }
0x16: {  	s0 =	sand.u32 $0x1, s0;
	s1 =	smul.u32 $0x3200, s1;
	[dreg:$0x17] =	wrdreg s16  }
0x17: {  	s31 =	simm.s32 $0x0;
	s5 =	smul.u32 $0x1900, s0;
	[dreg:$0x18] =	wrdreg s17  }
0x18: {  	s0 =	ssub.s32 $0x2, s0;
	[dreg:$0x19] =	wrdreg s18;
	s19 =	simm.s32 $0xB080  }
0x19: {  	s21 =	simm.s32 $0xB880;
	s22 =	simm.s32 $0xC080;
	s23 =	simm.s32 $0xC880  }
0x1a: {  	s7 =	simm.s32 $0xD080;
	s24 =	simm.s32 $0xD880;
	s26 =	simm.s32 $0xE080  }
0x1b: {  	s8 =	simm.s32 $0x2;
	s9 =	simm.s32 $0x80;
	[dreg:$0x1a] =	wrdreg s19  }
0x1c: {  	s10 =	simm.s32 $0xE880;
	s11 =	simm.s32 $0xF080;
	[dreg:$0x1b] =	wrdreg s21  }
0x1d: {  	s12 =	simm.s32 $0xF880;
	s13 =	simm.s32 $0x10080;
	[dreg:$0x1c] =	wrdreg s22  }
0x1e: {  	s14 =	simm.s32 $0x10880;
	s15 =	simm.s32 $0x11080;
	[dreg:$0x1d] =	wrdreg s23  }
0x1f: {  	s16 =	simm.s32 $0x11880;
	s17 =	simm.s32 $0x12080;
	[dreg:$0x1e] =	wrdreg s7  }
0x20: {  	s18 =	simm.s32 $0x12880;
	s20 =	sshrl.u32 s0, $0x1;
	[dreg:$0x1f] =	wrdreg s24  }
0x21: {  	[smem:$0x7FD] =	sst s26;
	s19 =	simm.s32 $0x13080;
	s21 =	simm.s32 $0x14080  }
0x22: {  	s22 =	simm.s32 $0x14880;
	s23 =	simm.s32 $0x15080;
	s1 =	sadd.s32 s5, s1  }
0x23: {  	s24 =	simm.s32 $0x15880;
	s5 =	simm.s32 $0x4880;
	s1 =	sshrl.u32 s1, $0x3  }
0x24: {  	s0 =	ssub.s32 s0, s20;
	s4 =	sadd.s32 s1, s4;
	s1 =	smul.u32 $0x300, s1  }
0x25: {  	s26 =	simm.s32 $0x16880;
	[dreg:$0xd] =	wrdreg s5;
	s0 =	smax.u32 s0, $0x1  }
0x26: {  	v2 =	vlaneseq.u32;
	s20 =	simm.s32 $0x13880;
	[smem:$0x7FB] =	sst s0;
	s1 =	sadd.s32 s1, s6  }
0x27: {  	vm0 =	vmmov $0xffff;
	v1 =	vshrl.u32 v2, $0x3;
	s5 =	sadd.s32 $0x200, s2;
	[dreg:$0x4] =	wrdreg s4;
	s25 =	sadd.s32 $0xE00, s1  }
0x28: {  	v0 =	vand.u32 $0x7, v2;
	v2 =	vor.u32 $0x8, v2;
	v1 =	vmul.u32 $0x8, v1;
	s4 =	sadd.s32 $0x100, s2;
	[smem:$0x7FC] =	sst s25;
	s25 =	simm.s32 $0x16080  }
.LBB2_1:
0x29: {  	s1 =	simm.s32 $0x0;
	s7 =	sld [smem:$0x7FC]  }
.LBB2_2:
0x2a: {  	s6 =	rddreg [dreg:$0x4]  }
0x2b: {  	s6 =	sadd.s32 s1, s6  }
0x2c: {  	[tilespmem:s3], [sflag:$0x2] =	stream.linear.gather [hbm4b:s6+s3], $0x80, $0x38;
	[tilespmem:$0x18080] =	vst v63  }
0x2d: {  	_ =	swait.ge [sflag:s8], $0x80  }
0x2e: {  	[sflag:s8] =	ssyncset.done $0x0  }
0x2f: {  	[sflag:s8] =	ssyncadd.s32 $0xFFFFFF80  }
0x30: {  	v3 =	vld [tilespmem:$0x0];
	_ =	sdelay $0x4  }
0x31: {  	v4 =	vshrl.u32 v3, $0x3  }
0x32: {  	v4 =	vmul.u32 $0x30, v4  }
0x33: {  	v3 =	vand.u32 $0x7, v3  }
0x34: {  	v3 =	vor.u32 v3, v4  }
0x35: {  	v4 =	vperm.xlane v3, v0;
	_ =	sdelay $0x1  }
0x36: {  	v4 =	vadd.s32 v1, v4;
	_ =	sdelay $0x3  }
0x37: {  	v3 =	vperm.xlane v3, v2  }
0x38: {  	[tilespmem:s9], [sflag:$0x1] =	stream.indirect_vreg.gather [hbm4b:s2+s3], $0x80, v4, vm0, $0xb8;
	[tilespmem:$0x18080] =	vst v63  }
0x39: {  	s6 =	rddreg [dreg:$0x5];
	v3 =	vadd.s32 v1, v3  }
0x3a: {  	[tilespmem:s6], [sflag:$0x1] =	stream.indirect_vreg.gather [hbm4b:s4+s3], $0x80, v4, vm0, $0xb8;
	[tilespmem:$0x18080] =	vst v63  }
0x3b: {  	s0 =	rddreg [dreg:$0x6]  }
0x3c: {  	[tilespmem:s0], [sflag:$0x1] =	stream.indirect_vreg.gather [hbm4b:s5+s3], $0x80, v4, vm0, $0xb8;
	[tilespmem:$0x18080] =	vst v63  }
0x3d: {  	s6 =	rddreg [dreg:$0x7]  }
0x3e: {  	[tilespmem:s6], [sflag:$0x1] =	stream.indirect_vreg.gather [hbm4b:s2+s3], $0x80, v3, vm0, $0xb8;
	[tilespmem:$0x18080] =	vst v63  }
0x3f: {  	s0 =	rddreg [dreg:$0x8]  }
0x40: {  	[tilespmem:s0], [sflag:$0x1] =	stream.indirect_vreg.gather [hbm4b:s4+s3], $0x80, v3, vm0, $0xb8;
	[tilespmem:$0x18080] =	vst v63  }
0x41: {  	s6 =	rddreg [dreg:$0x9]  }
0x42: {  	[tilespmem:s6], [sflag:$0x1] =	stream.indirect_vreg.gather [hbm4b:s5+s3], $0x80, v3, vm0, $0xb8;
	[tilespmem:$0x18080] =	vst v63  }
0x43: {  	v3 =	vld [tilespmem:$0x10];
	_ =	sdelay $0x4  }
0x44: {  	v57 =	vshrl.u32 v3, $0x3  }
0x45: {  	v4 =	vmul.u32 $0x30, v57  }
0x46: {  	v3 =	vand.u32 $0x7, v3  }
0x47: {  	v3 =	vor.u32 v3, v4  }
0x48: {  	v4 =	vperm.xlane v3, v0;
	_ =	sdelay $0x1  }
0x49: {  	v4 =	vadd.s32 v1, v4;
	_ =	sdelay $0x3  }
0x4a: {  	s0 =	rddreg [dreg:$0xa];
	v3 =	vperm.xlane v3, v2  }
0x4b: {  	[tilespmem:s0], [sflag:$0x1] =	stream.indirect_vreg.gather [hbm4b:s2+s3], $0x80, v4, vm0, $0xb8;
	[tilespmem:$0x18080] =	vst v63  }
0x4c: {  	s6 =	rddreg [dreg:$0xb];
	v3 =	vadd.s32 v1, v3  }
0x4d: {  	[tilespmem:s6], [sflag:$0x1] =	stream.indirect_vreg.gather [hbm4b:s4+s3], $0x80, v4, vm0, $0xb8;
	[tilespmem:$0x18080] =	vst v63  }
0x4e: {  	s0 =	rddreg [dreg:$0xc]  }
0x4f: {  	[tilespmem:s0], [sflag:$0x1] =	stream.indirect_vreg.gather [hbm4b:s5+s3], $0x80, v4, vm0, $0xb8;
	[tilespmem:$0x18080] =	vst v63  }
0x50: {  	s6 =	rddreg [dreg:$0xd]  }
0x51: {  	[tilespmem:s6], [sflag:$0x1] =	stream.indirect_vreg.gather [hbm4b:s2+s3], $0x80, v3, vm0, $0xb8;
	[tilespmem:$0x18080] =	vst v63  }
0x52: {  	s0 =	rddreg [dreg:$0xe]  }
0x53: {  	[tilespmem:s0], [sflag:$0x1] =	stream.indirect_vreg.gather [hbm4b:s4+s3], $0x80, v3, vm0, $0xb8;
	[tilespmem:$0x18080] =	vst v63  }
0x54: {  	s6 =	rddreg [dreg:$0xf]  }
0x55: {  	[tilespmem:s6], [sflag:$0x1] =	stream.indirect_vreg.gather [hbm4b:s5+s3], $0x80, v3, vm0, $0xb8;
	[tilespmem:$0x18080] =	vst v63  }
0x56: {  	v3 =	vld [tilespmem:$0x20];
	_ =	sdelay $0x4  }
0x57: {  	v58 =	vshrl.u32 v3, $0x3  }
0x58: {  	v4 =	vmul.u32 $0x30, v58  }
0x59: {  	v3 =	vand.u32 $0x7, v3  }
0x5a: {  	v3 =	vor.u32 v3, v4  }
0x5b: {  	v4 =	vperm.xlane v3, v0;
	_ =	sdelay $0x1  }
0x5c: {  	v4 =	vadd.s32 v1, v4;
	_ =	sdelay $0x3  }
0x5d: {  	s0 =	rddreg [dreg:$0x10];
	v3 =	vperm.xlane v3, v2  }
0x5e: {  	[tilespmem:s0], [sflag:$0x1] =	stream.indirect_vreg.gather [hbm4b:s2+s3], $0x80, v4, vm0, $0xb8;
	[tilespmem:$0x18080] =	vst v63  }
0x5f: {  	s6 =	rddreg [dreg:$0x11];
	v3 =	vadd.s32 v1, v3  }
0x60: {  	[tilespmem:s6], [sflag:$0x1] =	stream.indirect_vreg.gather [hbm4b:s4+s3], $0x80, v4, vm0, $0xb8;
	[tilespmem:$0x18080] =	vst v63  }
0x61: {  	s0 =	rddreg [dreg:$0x12]  }
0x62: {  	[tilespmem:s0], [sflag:$0x1] =	stream.indirect_vreg.gather [hbm4b:s5+s3], $0x80, v4, vm0, $0xb8;
	[tilespmem:$0x18080] =	vst v63  }
0x63: {  	s6 =	rddreg [dreg:$0x13]  }
0x64: {  	[tilespmem:s6], [sflag:$0x1] =	stream.indirect_vreg.gather [hbm4b:s2+s3], $0x80, v3, vm0, $0xb8;
	[tilespmem:$0x18080] =	vst v63  }
0x65: {  	s0 =	rddreg [dreg:$0x14]  }
0x66: {  	[tilespmem:s0], [sflag:$0x1] =	stream.indirect_vreg.gather [hbm4b:s4+s3], $0x80, v3, vm0, $0xb8;
	[tilespmem:$0x18080] =	vst v63  }
0x67: {  	s6 =	rddreg [dreg:$0x15]  }
0x68: {  	[tilespmem:s6], [sflag:$0x1] =	stream.indirect_vreg.gather [hbm4b:s5+s3], $0x80, v3, vm0, $0xb8;
	[tilespmem:$0x18080] =	vst v63  }
0x69: {  	v3 =	vld [tilespmem:$0x30];
	_ =	sdelay $0x4  }
0x6a: {  	v59 =	vshrl.u32 v3, $0x3  }
0x6b: {  	v4 =	vmul.u32 $0x30, v59  }
0x6c: {  	v3 =	vand.u32 $0x7, v3  }
0x6d: {  	v3 =	vor.u32 v3, v4  }
0x6e: {  	v4 =	vperm.xlane v3, v0;
	_ =	sdelay $0x1  }
0x6f: {  	v4 =	vadd.s32 v1, v4;
	_ =	sdelay $0x3  }
0x70: {  	s0 =	rddreg [dreg:$0x16];
	v3 =	vperm.xlane v3, v2  }
0x71: {  	[tilespmem:s0], [sflag:$0x1] =	stream.indirect_vreg.gather [hbm4b:s2+s3], $0x80, v4, vm0, $0xb8;
	[tilespmem:$0x18080] =	vst v63  }
0x72: {  	s6 =	rddreg [dreg:$0x17];
	v3 =	vadd.s32 v1, v3  }
0x73: {  	[tilespmem:s6], [sflag:$0x1] =	stream.indirect_vreg.gather [hbm4b:s4+s3], $0x80, v4, vm0, $0xb8;
	[tilespmem:$0x18080] =	vst v63  }
0x74: {  	s0 =	rddreg [dreg:$0x18]  }
0x75: {  	[tilespmem:s0], [sflag:$0x1] =	stream.indirect_vreg.gather [hbm4b:s5+s3], $0x80, v4, vm0, $0xb8;
	[tilespmem:$0x18080] =	vst v63  }
0x76: {  	s6 =	rddreg [dreg:$0x19]  }
0x77: {  	[tilespmem:s6], [sflag:$0x1] =	stream.indirect_vreg.gather [hbm4b:s2+s3], $0x80, v3, vm0, $0xb8;
	[tilespmem:$0x18080] =	vst v63  }
0x78: {  	s0 =	rddreg [dreg:$0x1a]  }
0x79: {  	[tilespmem:s0], [sflag:$0x1] =	stream.indirect_vreg.gather [hbm4b:s4+s3], $0x80, v3, vm0, $0xb8;
	[tilespmem:$0x18080] =	vst v63  }
0x7a: {  	s6 =	rddreg [dreg:$0x1b]  }
0x7b: {  	[tilespmem:s6], [sflag:$0x1] =	stream.indirect_vreg.gather [hbm4b:s5+s3], $0x80, v3, vm0, $0xb8;
	[tilespmem:$0x18080] =	vst v63  }
0x7c: {  	v3 =	vld [tilespmem:$0x40];
	_ =	sdelay $0x4  }
0x7d: {  	v60 =	vshrl.u32 v3, $0x3  }
0x7e: {  	v4 =	vmul.u32 $0x30, v60  }
0x7f: {  	v3 =	vand.u32 $0x7, v3  }
0x80: {  	v3 =	vor.u32 v3, v4  }
0x81: {  	v4 =	vperm.xlane v3, v0;
	_ =	sdelay $0x1  }
0x82: {  	v4 =	vadd.s32 v1, v4;
	_ =	sdelay $0x2  }
0x83: {  	s0 =	rddreg [dreg:$0x1c]  }
0x84: {  	s6 =	rddreg [dreg:$0x1d];
	v3 =	vperm.xlane v3, v2  }
0x85: {  	[tilespmem:s0], [sflag:$0x1] =	stream.indirect_vreg.gather [hbm4b:s2+s3], $0x80, v4, vm0, $0xb8;
	[tilespmem:$0x18080] =	vst v63  }
0x86: {  	v3 =	vadd.s32 v1, v3;
	s0 =	rddreg [dreg:$0x1e]  }
0x87: {  	[tilespmem:s6], [sflag:$0x1] =	stream.indirect_vreg.gather [hbm4b:s4+s3], $0x80, v4, vm0, $0xb8;
	[tilespmem:$0x18080] =	vst v63  }
0x88: {  	s6 =	rddreg [dreg:$0x1f]  }
0x89: {  	[tilespmem:s0], [sflag:$0x1] =	stream.indirect_vreg.gather [hbm4b:s5+s3], $0x80, v4, vm0, $0xb8;
	[tilespmem:$0x18080] =	vst v63  }
0x8a: {  	s0 =	sld [smem:$0x7FD]  }
0x8b: {  	[tilespmem:s6], [sflag:$0x1] =	stream.indirect_vreg.gather [hbm4b:s2+s3], $0x80, v3, vm0, $0xb8;
	[tilespmem:$0x18080] =	vst v63  }
0x8c: {  	_ = 	snop  }
0x8d: {  	[tilespmem:s0], [sflag:$0x1] =	stream.indirect_vreg.gather [hbm4b:s4+s3], $0x80, v3, vm0, $0xb8;
	[tilespmem:$0x18080] =	vst v63  }
0x8e: {  	_ = 	snop  }
0x8f: {  	[tilespmem:s10], [sflag:$0x1] =	stream.indirect_vreg.gather [hbm4b:s5+s3], $0x80, v3, vm0, $0xb8;
	[tilespmem:$0x18080] =	vst v63  }
0x90: {  	v3 =	vld [tilespmem:$0x50];
	_ =	sdelay $0x4  }
0x91: {  	v61 =	vshrl.u32 v3, $0x3  }
0x92: {  	v4 =	vmul.u32 $0x30, v61  }
0x93: {  	v3 =	vand.u32 $0x7, v3  }
0x94: {  	v3 =	vor.u32 v3, v4  }
0x95: {  	v4 =	vperm.xlane v3, v0;
	_ =	sdelay $0x1  }
0x96: {  	v4 =	vadd.s32 v1, v4;
	_ =	sdelay $0x3  }
0x97: {  	v3 =	vperm.xlane v3, v2  }
0x98: {  	[tilespmem:s11], [sflag:$0x1] =	stream.indirect_vreg.gather [hbm4b:s2+s3], $0x80, v4, vm0, $0xb8;
	[tilespmem:$0x18080] =	vst v63  }
0x99: {  	v3 =	vadd.s32 v1, v3  }
0x9a: {  	[tilespmem:s12], [sflag:$0x1] =	stream.indirect_vreg.gather [hbm4b:s4+s3], $0x80, v4, vm0, $0xb8;
	[tilespmem:$0x18080] =	vst v63  }
0x9b: {  	_ = 	snop  }
0x9c: {  	[tilespmem:s13], [sflag:$0x1] =	stream.indirect_vreg.gather [hbm4b:s5+s3], $0x80, v4, vm0, $0xb8;
	[tilespmem:$0x18080] =	vst v63  }
0x9d: {  	_ = 	snop  }
0x9e: {  	[tilespmem:s14], [sflag:$0x1] =	stream.indirect_vreg.gather [hbm4b:s2+s3], $0x80, v3, vm0, $0xb8;
	[tilespmem:$0x18080] =	vst v63  }
0x9f: {  	_ = 	snop  }
0xa0: {  	[tilespmem:s15], [sflag:$0x1] =	stream.indirect_vreg.gather [hbm4b:s4+s3], $0x80, v3, vm0, $0xb8;
	[tilespmem:$0x18080] =	vst v63  }
0xa1: {  	_ = 	snop  }
0xa2: {  	[tilespmem:s16], [sflag:$0x1] =	stream.indirect_vreg.gather [hbm4b:s5+s3], $0x80, v3, vm0, $0xb8;
	[tilespmem:$0x18080] =	vst v63  }
0xa3: {  	v3 =	vld [tilespmem:$0x60];
	_ =	sdelay $0x4  }
0xa4: {  	v62 =	vshrl.u32 v3, $0x3  }
0xa5: {  	v4 =	vmul.u32 $0x30, v62  }
0xa6: {  	v3 =	vand.u32 $0x7, v3  }
0xa7: {  	v3 =	vor.u32 v3, v4  }
0xa8: {  	v4 =	vperm.xlane v3, v0;
	_ =	sdelay $0x1  }
0xa9: {  	v4 =	vadd.s32 v1, v4;
	_ =	sdelay $0x3  }
0xaa: {  	v3 =	vperm.xlane v3, v2  }
0xab: {  	[tilespmem:s17], [sflag:$0x1] =	stream.indirect_vreg.gather [hbm4b:s2+s3], $0x80, v4, vm0, $0xb8;
	[tilespmem:$0x18080] =	vst v63  }
0xac: {  	v3 =	vadd.s32 v1, v3  }
0xad: {  	[tilespmem:s18], [sflag:$0x1] =	stream.indirect_vreg.gather [hbm4b:s4+s3], $0x80, v4, vm0, $0xb8;
	[tilespmem:$0x18080] =	vst v63  }
0xae: {  	_ = 	snop  }
0xaf: {  	[tilespmem:s19], [sflag:$0x1] =	stream.indirect_vreg.gather [hbm4b:s5+s3], $0x80, v4, vm0, $0xb8;
	[tilespmem:$0x18080] =	vst v63  }
0xb0: {  	_ = 	snop  }
0xb1: {  	[tilespmem:s20], [sflag:$0x1] =	stream.indirect_vreg.gather [hbm4b:s2+s3], $0x80, v3, vm0, $0xb8;
	[tilespmem:$0x18080] =	vst v63  }
0xb2: {  	_ = 	snop  }
0xb3: {  	[tilespmem:s21], [sflag:$0x1] =	stream.indirect_vreg.gather [hbm4b:s4+s3], $0x80, v3, vm0, $0xb8;
	[tilespmem:$0x18080] =	vst v63  }
0xb4: {  	_ = 	snop  }
0xb5: {  	[tilespmem:s22], [sflag:$0x1] =	stream.indirect_vreg.gather [hbm4b:s5+s3], $0x80, v3, vm0, $0xb8;
	[tilespmem:$0x18080] =	vst v63  }
0xb6: {  	v3 =	vld [tilespmem:$0x70];
	_ =	sdelay $0x4  }
0xb7: {  	v63 =	vshrl.u32 v3, $0x3  }
0xb8: {  	v4 =	vmul.u32 $0x30, v63  }
0xb9: {  	v3 =	vand.u32 $0x7, v3  }
0xba: {  	v3 =	vor.u32 v3, v4  }
0xbb: {  	v4 =	vperm.xlane v3, v0;
	_ =	sdelay $0x1  }
0xbc: {  	v4 =	vadd.s32 v1, v4;
	_ =	sdelay $0x3  }
0xbd: {  	v3 =	vperm.xlane v3, v2  }
0xbe: {  	[tilespmem:s23], [sflag:$0x1] =	stream.indirect_vreg.gather [hbm4b:s2+s3], $0x80, v4, vm0, $0xb8;
	[tilespmem:$0x18080] =	vst v63  }
0xbf: {  	v3 =	vadd.s32 v1, v3  }
0xc0: {  	[tilespmem:s24], [sflag:$0x1] =	stream.indirect_vreg.gather [hbm4b:s4+s3], $0x80, v4, vm0, $0xb8;
	[tilespmem:$0x18080] =	vst v63  }
0xc1: {  	_ = 	snop  }
0xc2: {  	[tilespmem:s25], [sflag:$0x1] =	stream.indirect_vreg.gather [hbm4b:s5+s3], $0x80, v4, vm0, $0xb8;
	[tilespmem:$0x18080] =	vst v63  }
0xc3: {  	_ = 	snop  }
0xc4: {  	[tilespmem:s26], [sflag:$0x1] =	stream.indirect_vreg.gather [hbm4b:s2+s3], $0x80, v3, vm0, $0xb8;
	[tilespmem:$0x18080] =	vst v63  }
0xc5: {  	_ = 	snop  }
0xc6: {  	[tilespmem:s28], [sflag:$0x1] =	stream.indirect_vreg.gather [hbm4b:s4+s3], $0x80, v3, vm0, $0xb8;
	[tilespmem:$0x18080] =	vst v63  }
0xc7: {  	_ = 	snop  }
0xc8: {  	[tilespmem:s29], [sflag:$0x1] =	stream.indirect_vreg.gather [hbm4b:s5+s3], $0x80, v3, vm0, $0xb8;
	[tilespmem:$0x18080] =	vst v63  }
0xc9: {  	_ =	swait.ge [sflag:s30], $0x18000  }
0xca: {  	p0 =	sne.s32 s1, $0x310;
	[sflag:s30] =	ssyncset.done $0x0  }
.Ltmp0:
0xcb: {  	[sflag:s30] =	ssyncadd.s32 $0xFFFE8000;
	(pc) =	sbr.rel @p0 .LBB2_2-.Ltmp0, $4  }
0xcc: {  	[hbm4b:s7+s3] =	stream.linear.scatter [tilespmem:s9], [sflag:$0x2], $0x18000, $0x38;
	[tilespmem:$0x18080] =	vst v63  }
0xcd: {  	_ =	swait.ge [sflag:s8], $0x18000  }
0xce: {  	[sflag:s8] =	ssyncset.done $0x0  }
0xcf: {  	s1 =	sadd.s32 $0x10, s1;
	s7 =	sadd.s32 $0x3000, s7;
	[sflag:s8] =	ssyncadd.s32 $0xFFFE8000  }
0xd0: {  	s0 =	sld [smem:$0x7FB];
	_ =	sdelay $0x1  }
0xd1: {  	s31 =	sadd.s32 $0x1, s31  }
0xd2: {  	p0 =	sne.s32 s31, s0  }
.Ltmp1:
0xd3: {  	_ = 	snop;
	(pc) =	sbr.rel @p0 .LBB2_1-.Ltmp1, $1  }
0xd4: {  	_ =	sdelay $0x3  }
0xd5: {  	_ =	sfence.sel $0x180000  }
0xd6: {  	[bflag:$0x0] =	sbarrier.arrive $0xFFFF  }
0xd7: {  	_ =	strace $0x90000047  }
0xd8: {  	s0 =	stileid.u32;
	[bflag:$0x2] =	sbarrier.arrive $0xFFFF  }
0xd9: {  	p0 =	sne.s32 s0, $0x0;
	s0 =	rddreg [dreg:$0x3]  }
0xda: {  	s0 =	sadd.s32 @!p0 $0x100000, s0  }
0xdb: {  	[sflag:s0] =	ssyncadd.tile.s32 @!p0 $0x1;
	_ =	shalt  }
.Lfunc_end2:
_tile_overlayer_lowered:
.L_overlay_start_2:
0xdc: {  	(tag) =	ssettag $0x2  }
0xdd: {  	s0 =	rddreg [dreg:$0x0];
	s2 =	stileid.u32  }
0xde: {  	s1 =	rddreg [dreg:$0x1];
	p0 =	sne.s32 s2, $0x0  }
0xdf: {  	s3 =	rddreg [dreg:$0x2];
	[bflag:$0x3] =	sbarrier.arrive $0xFFFF;
	s2 =	simm.s32 @!p0 $0x1C02  }
0xe0: {  	[timem:s3], [sflag:s2] =	dma.local @!p0 [hbm:s0], s1  }
0xe1: {  	s0 =	simm.s32 @!p0 $0x2  }
0xe2: {  	_ =	swait.ge @!p0 [sflag:s0], s1  }
0xe3: {  	s1 =	ssub.s32 @!p0 $0x0, s1;
	[sflag:s0] =	ssyncset.done @!p0 $0x0  }
0xe4: {  	[sflag:s0] =	ssyncadd.s32 @!p0 s1  }
0xe5: {  	[bflag:$0x3] =	sbarrier.arrive $0xFFFF  }
0xe6: {  	_ =	shalt  }

</sc_bundles>
